<compile_context>
chip_gen: v7x
topology: tpu7x:2x2x1
jax: 0.10.2.dev20260603
libtpu: 0.0.44.dev20260713+nightly
codegen_flags: <defaults>
</compile_context>

<pallas_src>
import functools

import jax
import jax.numpy as jnp
from jax import lax
from jax.experimental import pallas as pl
from jax.experimental.pallas import tpu as pltpu
from jax.experimental.pallas import tpu_sc as plsc

TC_ROWS = 448
ROWS_PER_BLOCK = 16

NUM_CORES = 2
NUM_SUBCORES = 16
LANES = 16
CHUNK = 16384
NBUF = 4


def _rpe_block(x_ref, tbl_ref, out_ref):
    seq_len = x_ref.shape[1]
    i0 = pl.program_id(0) * ROWS_PER_BLOCK
    xv = x_ref[0]
    base = pl.multiple_of(seq_len - i0 - ROWS_PER_BLOCK, 8)
    sup = tbl_ref[pl.ds(base, seq_len + ROWS_PER_BLOCK), :]
    for r in range(ROWS_PER_BLOCK):
        off = ROWS_PER_BLOCK - r
        out_ref[r] = xv + sup[off : off + seq_len]


def _tc_part(x, embed_table):
    batch, seq_len, d_model = x.shape
    grid = (TC_ROWS // ROWS_PER_BLOCK,)
    return pl.pallas_call(
        _rpe_block,
        grid=grid,
        in_specs=[
            pl.BlockSpec((batch, seq_len, d_model), lambda i: (0, 0, 0)),
            pl.BlockSpec(embed_table.shape, lambda i: (0, 0)),
        ],
        out_specs=pl.BlockSpec(
            (ROWS_PER_BLOCK, seq_len, d_model), lambda i: (i, 0, 0)
        ),
        out_shape=jax.ShapeDtypeStruct((TC_ROWS, seq_len, d_model), x.dtype),
        compiler_params=pltpu.CompilerParams(
            dimension_semantics=("parallel",)
        ),
    )(x, embed_table)


def _sc_part(x, embed_table):
    batch, seq_len, d_model = x.shape
    n_tbl = embed_table.shape[0]
    n_workers = NUM_CORES * NUM_SUBCORES
    sc_rows = seq_len - TC_ROWS
    rows_per_w = sc_rows // n_workers
    row_elems = seq_len * d_model
    n_chunks = row_elems // CHUNK
    sup_elems = CHUNK + (rows_per_w - 1) * d_model

    x_flat = x.reshape(row_elems)
    tbl_flat = embed_table.reshape(n_tbl * d_model)

    mesh = plsc.VectorSubcoreMesh(
        core_axis_name="c", subcore_axis_name="s"
    )

    @functools.partial(
        pl.kernel,
        mesh=mesh,
        out_type=jax.ShapeDtypeStruct((sc_rows * row_elems,), jnp.float32),
        scratch_types=[
            pltpu.VMEM((CHUNK,), jnp.float32),
            pltpu.VMEM((sup_elems,), jnp.float32),
            [pltpu.VMEM((CHUNK,), jnp.float32) for _ in range(NBUF)],
            [pltpu.SemaphoreType.DMA for _ in range(NBUF)],
        ],
    )
    def rpe_sc(x_hbm, tbl_hbm, out_hbm, xb, sup, obufs, sems_out):
        wid = lax.axis_index("s") * NUM_CORES + lax.axis_index("c")
        i0 = TC_ROWS + wid * rows_per_w

        def chunk_body(c, _):
            j_off = c * CHUNK
            pltpu.sync_copy(x_hbm.at[pl.ds(j_off, CHUNK)], xb)
            s_off = (seq_len - (i0 + rows_per_w - 1)) * d_model + j_off
            pltpu.sync_copy(tbl_hbm.at[pl.ds(s_off, sup_elems)], sup)

            def out_copy(r):
                o_off = (wid * rows_per_w + r) * row_elems + j_off
                return pltpu.make_async_copy(
                    obufs[r % NBUF],
                    out_hbm.at[pl.ds(o_off, CHUNK)],
                    sems_out[r % NBUF],
                )

            for r in range(rows_per_w):
                b = r % NBUF
                if r >= NBUF:
                    out_copy(r - NBUF).wait()
                w_off = (rows_per_w - 1 - r) * d_model

                @plsc.parallel_loop(0, CHUNK, step=LANES, unroll=8)
                def add_body(o):
                    obufs[b][pl.ds(o, LANES)] = (
                        sup[pl.ds(o + w_off, LANES)]
                        + xb[pl.ds(o, LANES)]
                    )
                out_copy(r).start()
            for r in range(max(rows_per_w - NBUF, 0), rows_per_w):
                out_copy(r).wait()
            return 0

        lax.fori_loop(0, n_chunks, chunk_body, 0)

    out_flat = rpe_sc(x_flat, tbl_flat)
    return out_flat.reshape(sc_rows, seq_len, d_model)


def kernel(x, embed_table):
    top = _tc_part(x, embed_table)
    bot = _sc_part(x, embed_table)
    return jnp.concatenate([top, bot], axis=0)

# --- scband reference (transcript-rebuilt; emitter-appended) ---
"""Pipeline reference for scband-relative-positional-encoding-53352083751359 (READ-ONLY COPY).

The authoritative reference and input builder live on the scoring server;
editing this copy changes nothing except your own understanding.
"""

import jax, jax.numpy as jnp
import numpy as np

D_MODEL = 256
MAX_LEN = 512
SEQ_LEN = 512
BATCH = 1

def setup_inputs(seed: int = 0) -> dict:
    key = jax.random.key(seed)
    k1, k2 = jax.random.split(key)
    x = jax.random.normal(k1, (BATCH, SEQ_LEN, D_MODEL), dtype=jnp.float32)
    embed_table = jax.random.normal(k2, (2 * MAX_LEN + 1, D_MODEL), dtype=jnp.float32)
    return {"x": x, "embed_table": embed_table}

def reference(x, embed_table):
    seq_len = x.shape[1]
    col_indices = jnp.tile(jnp.arange(seq_len)[None, :], (seq_len, 1))
    row_indices = jnp.tile(jnp.arange(seq_len)[:, None], (1, seq_len))
    distance = col_indices - row_indices + seq_len  # int32[S, S], values in [1, 2S-1]
    embeddings = jnp.take(embed_table, distance, axis=0)  # [S, S, D] gather
    return x + embeddings  # broadcast [B,S,D] + [S,S,D] -> [S,S,D] (B==1)

if __name__ == "__main__":
    import jax
    _d = setup_inputs()
    print(jax.jit(kernel)(*tuple(_d.values())))

</pallas_src>

<mosaic_0001>
#map = affine_map<(d0, d1) -> (0)>
module attributes {stable_mosaic.version = 14 : i64} {
  func.func @rpe_sc(%arg0: i32, %arg1: i32, %arg2: memref<131072xf32, #tpu.memory_space<hbm>>, %arg3: memref<262400xf32, #tpu.memory_space<hbm>>, %arg4: memref<8388608xf32, #tpu.memory_space<hbm>>, %arg5: memref<16384xf32, #tpu.memory_space<vmem>>, %arg6: memref<16640xf32, #tpu.memory_space<vmem>>, %arg7: memref<16384xf32, #tpu.memory_space<vmem>>, %arg8: memref<16384xf32, #tpu.memory_space<vmem>>, %arg9: memref<16384xf32, #tpu.memory_space<vmem>>, %arg10: memref<16384xf32, #tpu.memory_space<vmem>>, %arg11: memref<!tpu.dma_semaphore, #tpu.memory_space<semaphore_mem>>, %arg12: memref<!tpu.dma_semaphore, #tpu.memory_space<semaphore_mem>>, %arg13: memref<!tpu.dma_semaphore, #tpu.memory_space<semaphore_mem>>, %arg14: memref<!tpu.dma_semaphore, #tpu.memory_space<semaphore_mem>>) attributes {dimension_semantics = [#tpu.dimension_semantics<core_parallel>, #tpu.dimension_semantics<subcore_parallel>], iteration_bounds = array<i64: 2, 16>, scalar_prefetch = 0 : i64, scratch_operands = 10 : i64, tpu.core_type = #tpu.core_type<sc_vector_subcore>, window_params = [{transform_indices = #map}, {transform_indices = #map}, {transform_indices = #map}]} {
    %mul3A = arith.constant 2 : i32
    %mul3A_0 = arith.muli %arg1, %mul3A : i32
    %add3A = arith.addi %mul3A_0, %arg0 : i32
    %mul3A_1 = arith.constant 2 : i32
    %mul3A_2 = arith.muli %add3A, %mul3A_1 : i32
    %add3A_3 = arith.constant 448 : i32
    %add3A_4 = arith.addi %add3A_3, %mul3A_2 : i32
    %scan3A = arith.constant 0 : i32
    %scan3A_5 = arith.constant 0 : i32
    %scan3A_6 = arith.constant 8 : i32
    %scan3A_7 = arith.addi %scan3A_5, %scan3A_6 : i32
    %scan3A_8 = arith.constant 1 : i32
    %scan3A_9 = scf.for %scan3A_11 = %scan3A_5 to %scan3A_7 step %scan3A_8 iter_args(%scan3A_12 = %scan3A) -> (i32)  : i32 {
      %mul3A_13 = arith.constant 16384 : i32
      %mul3A_14 = arith.muli %scan3A_11, %mul3A_13 : i32
      "tpu.region"() ({
        %run_scoped3A = tpu.sem_alloc : memref<!tpu.dma_semaphore, #tpu.memory_space<semaphore_mem>>
        %dma_start3A_63 = tpu.memref_slice %arg2[%mul3A_14] : memref<131072xf32, #tpu.memory_space<hbm>> -> memref<16384xf32, #tpu.memory_space<hbm>>
        %dma_start3A_64 = tpu.memref_slice %arg2[%mul3A_14] : memref<131072xf32, #tpu.memory_space<hbm>> -> memref<16384xf32, #tpu.memory_space<hbm>>
        tpu.enqueue_dma source(%dma_start3A_64 : memref<16384xf32, #tpu.memory_space<hbm>>) target(%arg5 : memref<16384xf32, #tpu.memory_space<vmem>>) target_semaphore(%run_scoped3A : memref<!tpu.dma_semaphore, #tpu.memory_space<semaphore_mem>>)
        %dma_wait3A_65 = tpu.memref_slice %arg2[%mul3A_14] : memref<131072xf32, #tpu.memory_space<hbm>> -> memref<16384xf32, #tpu.memory_space<hbm>>
        %dma_wait3A_66 = tpu.memref_slice %arg2[%mul3A_14] : memref<131072xf32, #tpu.memory_space<hbm>> -> memref<16384xf32, #tpu.memory_space<hbm>>
        tpu.wait_dma2 semaphore(%run_scoped3A : memref<!tpu.dma_semaphore, #tpu.memory_space<semaphore_mem>>) src(%dma_wait3A_66 : memref<16384xf32, #tpu.memory_space<hbm>>) dst(%arg5 : memref<16384xf32, #tpu.memory_space<vmem>>)
        tpu.yield
      }) : () -> ()
      %add3A_15 = arith.constant 2 : i32
      %add3A_16 = arith.addi %add3A_4, %add3A_15 : i32
      %sub3A = arith.constant 1 : i32
      %sub3A_17 = arith.subi %add3A_16, %sub3A : i32
      %sub3A_18 = arith.constant 512 : i32
      %sub3A_19 = arith.subi %sub3A_18, %sub3A_17 : i32
      %mul3A_20 = arith.constant 256 : i32
      %mul3A_21 = arith.muli %sub3A_19, %mul3A_20 : i32
      %add3A_22 = arith.addi %mul3A_21, %mul3A_14 : i32
      "tpu.region"() ({
        %run_scoped3A = tpu.sem_alloc : memref<!tpu.dma_semaphore, #tpu.memory_space<semaphore_mem>>
        %dma_start3A_63 = tpu.memref_slice %arg3[%add3A_22] : memref<262400xf32, #tpu.memory_space<hbm>> -> memref<16640xf32, #tpu.memory_space<hbm>>
        %dma_start3A_64 = tpu.memref_slice %arg3[%add3A_22] : memref<262400xf32, #tpu.memory_space<hbm>> -> memref<16640xf32, #tpu.memory_space<hbm>>
        tpu.enqueue_dma source(%dma_start3A_64 : memref<16640xf32, #tpu.memory_space<hbm>>) target(%arg6 : memref<16640xf32, #tpu.memory_space<vmem>>) target_semaphore(%run_scoped3A : memref<!tpu.dma_semaphore, #tpu.memory_space<semaphore_mem>>)
        %dma_wait3A_65 = tpu.memref_slice %arg3[%add3A_22] : memref<262400xf32, #tpu.memory_space<hbm>> -> memref<16640xf32, #tpu.memory_space<hbm>>
        %dma_wait3A_66 = tpu.memref_slice %arg3[%add3A_22] : memref<262400xf32, #tpu.memory_space<hbm>> -> memref<16640xf32, #tpu.memory_space<hbm>>
        tpu.wait_dma2 semaphore(%run_scoped3A : memref<!tpu.dma_semaphore, #tpu.memory_space<semaphore_mem>>) src(%dma_wait3A_66 : memref<16640xf32, #tpu.memory_space<hbm>>) dst(%arg6 : memref<16640xf32, #tpu.memory_space<vmem>>)
        tpu.yield
      }) : () -> ()
      %parallel_loop3A = arith.constant 0 : i32
      %parallel_loop3A_23 = arith.constant 16384 : i32
      %parallel_loop3A_24 = arith.constant 16 : i32
      scf.for %parallel_loop3A_63 = %parallel_loop3A to %parallel_loop3A_23 step %parallel_loop3A_24  : i32 {
        %parallel_loop3A_64 = arith.constant 256 : i32
        %parallel_loop3A_65 = arith.addi %parallel_loop3A_63, %parallel_loop3A_64 : i32
        %parallel_loop3A_66 = arith.index_cast %parallel_loop3A_65 : i32 to index
        %parallel_loop3A_67 = tpu.vector_load %arg6[%parallel_loop3A_66] {strides = array<i32>} : memref<16640xf32, #tpu.memory_space<vmem>>, vector<16xf32>,
        %parallel_loop3A_68 = vector.shape_cast %parallel_loop3A_67 : vector<16xf32> to vector<16xf32>
        %parallel_loop3A_69 = arith.index_cast %parallel_loop3A_63 : i32 to index
        %parallel_loop3A_70 = tpu.vector_load %arg5[%parallel_loop3A_69] {strides = array<i32>} : memref<16384xf32, #tpu.memory_space<vmem>>, vector<16xf32>,
        %parallel_loop3A_71 = vector.shape_cast %parallel_loop3A_70 : vector<16xf32> to vector<16xf32>
        %parallel_loop3A_72 = arith.addf %parallel_loop3A_68, %parallel_loop3A_71 : vector<16xf32>
        %parallel_loop3A_73 = arith.index_cast %parallel_loop3A_63 : i32 to index
        %parallel_loop3A_74 = tpu.vector_load %arg7[%parallel_loop3A_73] {strides = array<i32>} : memref<16384xf32, #tpu.memory_space<vmem>>, vector<16xf32>,
        %parallel_loop3A_75 = vector.shape_cast %parallel_loop3A_74 : vector<16xf32> to vector<16xf32>
        %parallel_loop3A_76 = vector.shape_cast %parallel_loop3A_72 : vector<16xf32> to vector<16xf32>
        tpu.vector_store %arg7[%parallel_loop3A_73], %parallel_loop3A_76 {strides = array<i32>} : memref<16384xf32, #tpu.memory_space<vmem>>, vector<16xf32>,
      } {sc.loop_unroll_factor = 8 : i64, sc.parallel_access}
      %mul3A_25 = arith.constant 2 : i32
      %mul3A_26 = arith.muli %add3A, %mul3A_25 : i32
      %add3A_27 = arith.constant 0 : i32
      %add3A_28 = arith.addi %mul3A_26, %add3A_27 : i32
      %mul3A_29 = arith.constant 131072 : i32
      %mul3A_30 = arith.muli %add3A_28, %mul3A_29 : i32
      %add3A_31 = arith.addi %mul3A_30, %mul3A_14 : i32
      %dma_start3A = tpu.memref_slice %arg4[%add3A_31] : memref<8388608xf32, #tpu.memory_space<hbm>> -> memref<16384xf32, #tpu.memory_space<hbm>>
      %dma_start3A_32 = tpu.memref_slice %arg4[%add3A_31] : memref<8388608xf32, #tpu.memory_space<hbm>> -> memref<16384xf32, #tpu.memory_space<hbm>>
      tpu.enqueue_dma source(%arg7 : memref<16384xf32, #tpu.memory_space<vmem>>) target(%dma_start3A_32 : memref<16384xf32, #tpu.memory_space<hbm>>) target_semaphore(%arg11 : memref<!tpu.dma_semaphore, #tpu.memory_space<semaphore_mem>>)
      %parallel_loop3A_33 = arith.constant 0 : i32
      %parallel_loop3A_34 = arith.constant 16384 : i32
      %parallel_loop3A_35 = arith.constant 16 : i32
      scf.for %parallel_loop3A_63 = %parallel_loop3A_33 to %parallel_loop3A_34 step %parallel_loop3A_35  : i32 {
        %parallel_loop3A_64 = arith.constant 0 : i32
        %parallel_loop3A_65 = arith.addi %parallel_loop3A_63, %parallel_loop3A_64 : i32
        %parallel_loop3A_66 = arith.index_cast %parallel_loop3A_65 : i32 to index
        %parallel_loop3A_67 = tpu.vector_load %arg6[%parallel_loop3A_66] {strides = array<i32>} : memref<16640xf32, #tpu.memory_space<vmem>>, vector<16xf32>,
        %parallel_loop3A_68 = vector.shape_cast %parallel_loop3A_67 : vector<16xf32> to vector<16xf32>
        %parallel_loop3A_69 = arith.index_cast %parallel_loop3A_63 : i32 to index
        %parallel_loop3A_70 = tpu.vector_load %arg5[%parallel_loop3A_69] {strides = array<i32>} : memref<16384xf32, #tpu.memory_space<vmem>>, vector<16xf32>,
        %parallel_loop3A_71 = vector.shape_cast %parallel_loop3A_70 : vector<16xf32> to vector<16xf32>
        %parallel_loop3A_72 = arith.addf %parallel_loop3A_68, %parallel_loop3A_71 : vector<16xf32>
        %parallel_loop3A_73 = arith.index_cast %parallel_loop3A_63 : i32 to index
        %parallel_loop3A_74 = tpu.vector_load %arg8[%parallel_loop3A_73] {strides = array<i32>} : memref<16384xf32, #tpu.memory_space<vmem>>, vector<16xf32>,
        %parallel_loop3A_75 = vector.shape_cast %parallel_loop3A_74 : vector<16xf32> to vector<16xf32>
        %parallel_loop3A_76 = vector.shape_cast %parallel_loop3A_72 : vector<16xf32> to vector<16xf32>
        tpu.vector_store %arg8[%parallel_loop3A_73], %parallel_loop3A_76 {strides = array<i32>} : memref<16384xf32, #tpu.memory_space<vmem>>, vector<16xf32>,
      } {sc.loop_unroll_factor = 8 : i64, sc.parallel_access}
      %mul3A_36 = arith.constant 2 : i32
      %mul3A_37 = arith.muli %add3A, %mul3A_36 : i32
      %add3A_38 = arith.constant 1 : i32
      %add3A_39 = arith.addi %mul3A_37, %add3A_38 : i32
      %mul3A_40 = arith.constant 131072 : i32
      %mul3A_41 = arith.muli %add3A_39, %mul3A_40 : i32
      %add3A_42 = arith.addi %mul3A_41, %mul3A_14 : i32
      %dma_start3A_43 = tpu.memref_slice %arg4[%add3A_42] : memref<8388608xf32, #tpu.memory_space<hbm>> -> memref<16384xf32, #tpu.memory_space<hbm>>
      %dma_start3A_44 = tpu.memref_slice %arg4[%add3A_42] : memref<8388608xf32, #tpu.memory_space<hbm>> -> memref<16384xf32, #tpu.memory_space<hbm>>
      tpu.enqueue_dma source(%arg8 : memref<16384xf32, #tpu.memory_space<vmem>>) target(%dma_start3A_44 : memref<16384xf32, #tpu.memory_space<hbm>>) target_semaphore(%arg12 : memref<!tpu.dma_semaphore, #tpu.memory_space<semaphore_mem>>)
      %mul3A_45 = arith.constant 2 : i32
      %mul3A_46 = arith.muli %add3A, %mul3A_45 : i32
      %add3A_47 = arith.constant 0 : i32
      %add3A_48 = arith.addi %mul3A_46, %add3A_47 : i32
      %mul3A_49 = arith.constant 131072 : i32
      %mul3A_50 = arith.muli %add3A_48, %mul3A_49 : i32
      %add3A_51 = arith.addi %mul3A_50, %mul3A_14 : i32
      %dma_wait3A = tpu.memref_slice %arg4[%add3A_51] : memref<8388608xf32, #tpu.memory_space<hbm>> -> memref<16384xf32, #tpu.memory_space<hbm>>
      %dma_wait3A_52 = tpu.memref_slice %arg4[%add3A_51] : memref<8388608xf32, #tpu.memory_space<hbm>> -> memref<16384xf32, #tpu.memory_space<hbm>>
      tpu.wait_dma2 semaphore(%arg11 : memref<!tpu.dma_semaphore, #tpu.memory_space<semaphore_mem>>) src(%arg7 : memref<16384xf32, #tpu.memory_space<vmem>>) dst(%dma_wait3A_52 : memref<16384xf32, #tpu.memory_space<hbm>>)
      %mul3A_53 = arith.constant 2 : i32
      %mul3A_54 = arith.muli %add3A, %mul3A_53 : i32
      %add3A_55 = arith.constant 1 : i32
      %add3A_56 = arith.addi %mul3A_54, %add3A_55 : i32
      %mul3A_57 = arith.constant 131072 : i32
      %mul3A_58 = arith.muli %add3A_56, %mul3A_57 : i32
      %add3A_59 = arith.addi %mul3A_58, %mul3A_14 : i32
      %dma_wait3A_60 = tpu.memref_slice %arg4[%add3A_59] : memref<8388608xf32, #tpu.memory_space<hbm>> -> memref<16384xf32, #tpu.memory_space<hbm>>
      %dma_wait3A_61 = tpu.memref_slice %arg4[%add3A_59] : memref<8388608xf32, #tpu.memory_space<hbm>> -> memref<16384xf32, #tpu.memory_space<hbm>>
      tpu.wait_dma2 semaphore(%arg12 : memref<!tpu.dma_semaphore, #tpu.memory_space<semaphore_mem>>) src(%arg8 : memref<16384xf32, #tpu.memory_space<vmem>>) dst(%dma_wait3A_61 : memref<16384xf32, #tpu.memory_space<hbm>>)
      %scan3A_62 = arith.constant 0 : i32
      scf.yield %scan3A_62 : i32
    }
    %scan3A_10 = arith.constant 8 : i32
    return
  }
}

module attributes {stable_mosaic.version = 14 : i64} {
  func.func @_rpe_block(%arg0: i32, %arg1: memref<1x512x256xf32, #tpu.memory_space<vmem>>, %arg2: memref<1025x256xf32, #tpu.memory_space<vmem>>, %arg3: memref<16x512x256xf32, #tpu.memory_space<vmem>>) attributes {dimension_semantics = [#tpu.dimension_semantics<parallel>], iteration_bounds = array<i64: 28>, scalar_prefetch = 0 : i64, scratch_operands = 0 : i64, tpu.core_type = #tpu.core_type<tc>, window_params = [{pipeline_mode = #tpu.pipeline_mode<synchronous>, transform_indices = @transform_0, window_bounds = array<i64: 1, 512, 256>}, {pipeline_mode = #tpu.pipeline_mode<synchronous>, transform_indices = @transform_1, window_bounds = array<i64: 1025, 256>}, {transform_indices = @transform_2, window_bounds = array<i64: 16, 512, 256>}]} {
    %mul3A = arith.constant 16 : i32
    %mul3A_0 = arith.muli %arg0, %mul3A : i32
    %get3A = arith.constant 0 : index
    %get3A_1 = arith.constant 0 : index
    %get3A_2 = arith.constant 0 : index
    %get3A_3 = vector.load %arg1[%get3A, %get3A_1, %get3A_2] : memref<1x512x256xf32, #tpu.memory_space<vmem>>, vector<1x512x256xf32>
    %get3A_4 = vector.shape_cast %get3A_3 : vector<1x512x256xf32> to vector<512x256xf32>
    %sub3A = arith.constant 512 : i32
    %sub3A_5 = arith.subi %sub3A, %mul3A_0 : i32
    %sub3A_6 = arith.constant 16 : i32
    %sub3A_7 = arith.subi %sub3A_5, %sub3A_6 : i32
    %multiple_of3A = tpu.assume_multiple %sub3A_7, 8 : i32
    %get3A_8 = arith.index_cast %multiple_of3A : i32 to index
    %get3A_9 = arith.constant 0 : index
    %get3A_10 = vector.load %arg2[%get3A_8, %get3A_9] : memref<1025x256xf32, #tpu.memory_space<vmem>>, vector<528x256xf32>
    %slice3A = vector.extract_strided_slice %get3A_10 {offsets = [16, 0], sizes = [512, 256], strides = [1, 1]} : vector<528x256xf32> to vector<512x256xf32>
    %add3A = arith.addf %get3A_4, %slice3A : vector<512x256xf32>
    %swap3A = arith.constant 0 : index
    %swap3A_11 = arith.constant 0 : index
    %swap3A_12 = arith.constant 0 : index
    %swap3A_13 = vector.load %arg3[%swap3A, %swap3A_11, %swap3A_12] : memref<16x512x256xf32, #tpu.memory_space<vmem>>, vector<1x512x256xf32>
    %swap3A_14 = vector.shape_cast %swap3A_13 : vector<1x512x256xf32> to vector<512x256xf32>
    %swap3A_15 = vector.shape_cast %add3A : vector<512x256xf32> to vector<1x512x256xf32>
    tpu.vector_store %arg3[%swap3A, %swap3A_11, %swap3A_12], %swap3A_15 {strides = array<i32>} : memref<16x512x256xf32, #tpu.memory_space<vmem>>, vector<1x512x256xf32>,
    %slice3A_16 = vector.extract_strided_slice %get3A_10 {offsets = [15, 0], sizes = [512, 256], strides = [1, 1]} : vector<528x256xf32> to vector<512x256xf32>
    %add3A_17 = arith.addf %get3A_4, %slice3A_16 : vector<512x256xf32>
    %swap3A_18 = arith.constant 1 : index
    %swap3A_19 = arith.constant 0 : index
    %swap3A_20 = arith.constant 0 : index
    %swap3A_21 = vector.load %arg3[%swap3A_18, %swap3A_19, %swap3A_20] : memref<16x512x256xf32, #tpu.memory_space<vmem>>, vector<1x512x256xf32>
    %swap3A_22 = vector.shape_cast %swap3A_21 : vector<1x512x256xf32> to vector<512x256xf32>
    %swap3A_23 = vector.shape_cast %add3A_17 : vector<512x256xf32> to vector<1x512x256xf32>
    tpu.vector_store %arg3[%swap3A_18, %swap3A_19, %swap3A_20], %swap3A_23 {strides = array<i32>} : memref<16x512x256xf32, #tpu.memory_space<vmem>>, vector<1x512x256xf32>,
    %slice3A_24 = vector.extract_strided_slice %get3A_10 {offsets = [14, 0], sizes = [512, 256], strides = [1, 1]} : vector<528x256xf32> to vector<512x256xf32>
    %add3A_25 = arith.addf %get3A_4, %slice3A_24 : vector<512x256xf32>
    %swap3A_26 = arith.constant 2 : index
    %swap3A_27 = arith.constant 0 : index
    %swap3A_28 = arith.constant 0 : index
    %swap3A_29 = vector.load %arg3[%swap3A_26, %swap3A_27, %swap3A_28] : memref<16x512x256xf32, #tpu.memory_space<vmem>>, vector<1x512x256xf32>
    %swap3A_30 = vector.shape_cast %swap3A_29 : vector<1x512x256xf32> to vector<512x256xf32>
    %swap3A_31 = vector.shape_cast %add3A_25 : vector<512x256xf32> to vector<1x512x256xf32>
    tpu.vector_store %arg3[%swap3A_26, %swap3A_27, %swap3A_28], %swap3A_31 {strides = array<i32>} : memref<16x512x256xf32, #tpu.memory_space<vmem>>, vector<1x512x256xf32>,
    %slice3A_32 = vector.extract_strided_slice %get3A_10 {offsets = [13, 0], sizes = [512, 256], strides = [1, 1]} : vector<528x256xf32> to vector<512x256xf32>
    %add3A_33 = arith.addf %get3A_4, %slice3A_32 : vector<512x256xf32>
    %swap3A_34 = arith.constant 3 : index
    %swap3A_35 = arith.constant 0 : index
    %swap3A_36 = arith.constant 0 : index
    %swap3A_37 = vector.load %arg3[%swap3A_34, %swap3A_35, %swap3A_36] : memref<16x512x256xf32, #tpu.memory_space<vmem>>, vector<1x512x256xf32>
    %swap3A_38 = vector.shape_cast %swap3A_37 : vector<1x512x256xf32> to vector<512x256xf32>
    %swap3A_39 = vector.shape_cast %add3A_33 : vector<512x256xf32> to vector<1x512x256xf32>
    tpu.vector_store %arg3[%swap3A_34, %swap3A_35, %swap3A_36], %swap3A_39 {strides = array<i32>} : memref<16x512x256xf32, #tpu.memory_space<vmem>>, vector<1x512x256xf32>,
    %slice3A_40 = vector.extract_strided_slice %get3A_10 {offsets = [12, 0], sizes = [512, 256], strides = [1, 1]} : vector<528x256xf32> to vector<512x256xf32>
    %add3A_41 = arith.addf %get3A_4, %slice3A_40 : vector<512x256xf32>
    %swap3A_42 = arith.constant 4 : index
    %swap3A_43 = arith.constant 0 : index
    %swap3A_44 = arith.constant 0 : index
    %swap3A_45 = vector.load %arg3[%swap3A_42, %swap3A_43, %swap3A_44] : memref<16x512x256xf32, #tpu.memory_space<vmem>>, vector<1x512x256xf32>
    %swap3A_46 = vector.shape_cast %swap3A_45 : vector<1x512x256xf32> to vector<512x256xf32>
    %swap3A_47 = vector.shape_cast %add3A_41 : vector<512x256xf32> to vector<1x512x256xf32>
    tpu.vector_store %arg3[%swap3A_42, %swap3A_43, %swap3A_44], %swap3A_47 {strides = array<i32>} : memref<16x512x256xf32, #tpu.memory_space<vmem>>, vector<1x512x256xf32>,
    %slice3A_48 = vector.extract_strided_slice %get3A_10 {offsets = [11, 0], sizes = [512, 256], strides = [1, 1]} : vector<528x256xf32> to vector<512x256xf32>
    %add3A_49 = arith.addf %get3A_4, %slice3A_48 : vector<512x256xf32>
    %swap3A_50 = arith.constant 5 : index
    %swap3A_51 = arith.constant 0 : index
    %swap3A_52 = arith.constant 0 : index
    %swap3A_53 = vector.load %arg3[%swap3A_50, %swap3A_51, %swap3A_52] : memref<16x512x256xf32, #tpu.memory_space<vmem>>, vector<1x512x256xf32>
    %swap3A_54 = vector.shape_cast %swap3A_53 : vector<1x512x256xf32> to vector<512x256xf32>
    %swap3A_55 = vector.shape_cast %add3A_49 : vector<512x256xf32> to vector<1x512x256xf32>
    tpu.vector_store %arg3[%swap3A_50, %swap3A_51, %swap3A_52], %swap3A_55 {strides = array<i32>} : memref<16x512x256xf32, #tpu.memory_space<vmem>>, vector<1x512x256xf32>,
    %slice3A_56 = vector.extract_strided_slice %get3A_10 {offsets = [10, 0], sizes = [512, 256], strides = [1, 1]} : vector<528x256xf32> to vector<512x256xf32>
    %add3A_57 = arith.addf %get3A_4, %slice3A_56 : vector<512x256xf32>
    %swap3A_58 = arith.constant 6 : index
    %swap3A_59 = arith.constant 0 : index
    %swap3A_60 = arith.constant 0 : index
    %swap3A_61 = vector.load %arg3[%swap3A_58, %swap3A_59, %swap3A_60] : memref<16x512x256xf32, #tpu.memory_space<vmem>>, vector<1x512x256xf32>
    %swap3A_62 = vector.shape_cast %swap3A_61 : vector<1x512x256xf32> to vector<512x256xf32>
    %swap3A_63 = vector.shape_cast %add3A_57 : vector<512x256xf32> to vector<1x512x256xf32>
    tpu.vector_store %arg3[%swap3A_58, %swap3A_59, %swap3A_60], %swap3A_63 {strides = array<i32>} : memref<16x512x256xf32, #tpu.memory_space<vmem>>, vector<1x512x256xf32>,
    %slice3A_64 = vector.extract_strided_slice %get3A_10 {offsets = [9, 0], sizes = [512, 256], strides = [1, 1]} : vector<528x256xf32> to vector<512x256xf32>
    %add3A_65 = arith.addf %get3A_4, %slice3A_64 : vector<512x256xf32>
    %swap3A_66 = arith.constant 7 : index
    %swap3A_67 = arith.constant 0 : index
    %swap3A_68 = arith.constant 0 : index
    %swap3A_69 = vector.load %arg3[%swap3A_66, %swap3A_67, %swap3A_68] : memref<16x512x256xf32, #tpu.memory_space<vmem>>, vector<1x512x256xf32>
    %swap3A_70 = vector.shape_cast %swap3A_69 : vector<1x512x256xf32> to vector<512x256xf32>
    %swap3A_71 = vector.shape_cast %add3A_65 : vector<512x256xf32> to vector<1x512x256xf32>
    tpu.vector_store %arg3[%swap3A_66, %swap3A_67, %swap3A_68], %swap3A_71 {strides = array<i32>} : memref<16x512x256xf32, #tpu.memory_space<vmem>>, vector<1x512x256xf32>,
    %slice3A_72 = vector.extract_strided_slice %get3A_10 {offsets = [8, 0], sizes = [512, 256], strides = [1, 1]} : vector<528x256xf32> to vector<512x256xf32>
    %add3A_73 = arith.addf %get3A_4, %slice3A_72 : vector<512x256xf32>
    %swap3A_74 = arith.constant 8 : index
    %swap3A_75 = arith.constant 0 : index
    %swap3A_76 = arith.constant 0 : index
    %swap3A_77 = vector.load %arg3[%swap3A_74, %swap3A_75, %swap3A_76] : memref<16x512x256xf32, #tpu.memory_space<vmem>>, vector<1x512x256xf32>
    %swap3A_78 = vector.shape_cast %swap3A_77 : vector<1x512x256xf32> to vector<512x256xf32>
    %swap3A_79 = vector.shape_cast %add3A_73 : vector<512x256xf32> to vector<1x512x256xf32>
    tpu.vector_store %arg3[%swap3A_74, %swap3A_75, %swap3A_76], %swap3A_79 {strides = array<i32>} : memref<16x512x256xf32, #tpu.memory_space<vmem>>, vector<1x512x256xf32>,
    %slice3A_80 = vector.extract_strided_slice %get3A_10 {offsets = [7, 0], sizes = [512, 256], strides = [1, 1]} : vector<528x256xf32> to vector<512x256xf32>
    %add3A_81 = arith.addf %get3A_4, %slice3A_80 : vector<512x256xf32>
    %swap3A_82 = arith.constant 9 : index
    %swap3A_83 = arith.constant 0 : index
    %swap3A_84 = arith.constant 0 : index
    %swap3A_85 = vector.load %arg3[%swap3A_82, %swap3A_83, %swap3A_84] : memref<16x512x256xf32, #tpu.memory_space<vmem>>, vector<1x512x256xf32>
    %swap3A_86 = vector.shape_cast %swap3A_85 : vector<1x512x256xf32> to vector<512x256xf32>
    %swap3A_87 = vector.shape_cast %add3A_81 : vector<512x256xf32> to vector<1x512x256xf32>
    tpu.vector_store %arg3[%swap3A_82, %swap3A_83, %swap3A_84], %swap3A_87 {strides = array<i32>} : memref<16x512x256xf32, #tpu.memory_space<vmem>>, vector<1x512x256xf32>,
    %slice3A_88 = vector.extract_strided_slice %get3A_10 {offsets = [6, 0], sizes = [512, 256], strides = [1, 1]} : vector<528x256xf32> to vector<512x256xf32>
    %add3A_89 = arith.addf %get3A_4, %slice3A_88 : vector<512x256xf32>
    %swap3A_90 = arith.constant 10 : index
    %swap3A_91 = arith.constant 0 : index
    %swap3A_92 = arith.constant 0 : index
    %swap3A_93 = vector.load %arg3[%swap3A_90, %swap3A_91, %swap3A_92] : memref<16x512x256xf32, #tpu.memory_space<vmem>>, vector<1x512x256xf32>
    %swap3A_94 = vector.shape_cast %swap3A_93 : vector<1x512x256xf32> to vector<512x256xf32>
    %swap3A_95 = vector.shape_cast %add3A_89 : vector<512x256xf32> to vector<1x512x256xf32>
    tpu.vector_store %arg3[%swap3A_90, %swap3A_91, %swap3A_92], %swap3A_95 {strides = array<i32>} : memref<16x512x256xf32, #tpu.memory_space<vmem>>, vector<1x512x256xf32>,
    %slice3A_96 = vector.extract_strided_slice %get3A_10 {offsets = [5, 0], sizes = [512, 256], strides = [1, 1]} : vector<528x256xf32> to vector<512x256xf32>
    %add3A_97 = arith.addf %get3A_4, %slice3A_96 : vector<512x256xf32>
    %swap3A_98 = arith.constant 11 : index
    %swap3A_99 = arith.constant 0 : index
    %swap3A_100 = arith.constant 0 : index
    %swap3A_101 = vector.load %arg3[%swap3A_98, %swap3A_99, %swap3A_100] : memref<16x512x256xf32, #tpu.memory_space<vmem>>, vector<1x512x256xf32>
    %swap3A_102 = vector.shape_cast %swap3A_101 : vector<1x512x256xf32> to vector<512x256xf32>
    %swap3A_103 = vector.shape_cast %add3A_97 : vector<512x256xf32> to vector<1x512x256xf32>
    tpu.vector_store %arg3[%swap3A_98, %swap3A_99, %swap3A_100], %swap3A_103 {strides = array<i32>} : memref<16x512x256xf32, #tpu.memory_space<vmem>>, vector<1x512x256xf32>,
    %slice3A_104 = vector.extract_strided_slice %get3A_10 {offsets = [4, 0], sizes = [512, 256], strides = [1, 1]} : vector<528x256xf32> to vector<512x256xf32>
    %add3A_105 = arith.addf %get3A_4, %slice3A_104 : vector<512x256xf32>
    %swap3A_106 = arith.constant 12 : index
    %swap3A_107 = arith.constant 0 : index
    %swap3A_108 = arith.constant 0 : index
    %swap3A_109 = vector.load %arg3[%swap3A_106, %swap3A_107, %swap3A_108] : memref<16x512x256xf32, #tpu.memory_space<vmem>>, vector<1x512x256xf32>
    %swap3A_110 = vector.shape_cast %swap3A_109 : vector<1x512x256xf32> to vector<512x256xf32>
    %swap3A_111 = vector.shape_cast %add3A_105 : vector<512x256xf32> to vector<1x512x256xf32>
    tpu.vector_store %arg3[%swap3A_106, %swap3A_107, %swap3A_108], %swap3A_111 {strides = array<i32>} : memref<16x512x256xf32, #tpu.memory_space<vmem>>, vector<1x512x256xf32>,
    %slice3A_112 = vector.extract_strided_slice %get3A_10 {offsets = [3, 0], sizes = [512, 256], strides = [1, 1]} : vector<528x256xf32> to vector<512x256xf32>
    %add3A_113 = arith.addf %get3A_4, %slice3A_112 : vector<512x256xf32>
    %swap3A_114 = arith.constant 13 : index
    %swap3A_115 = arith.constant 0 : index
    %swap3A_116 = arith.constant 0 : index
    %swap3A_117 = vector.load %arg3[%swap3A_114, %swap3A_115, %swap3A_116] : memref<16x512x256xf32, #tpu.memory_space<vmem>>, vector<1x512x256xf32>
    %swap3A_118 = vector.shape_cast %swap3A_117 : vector<1x512x256xf32> to vector<512x256xf32>
    %swap3A_119 = vector.shape_cast %add3A_113 : vector<512x256xf32> to vector<1x512x256xf32>
    tpu.vector_store %arg3[%swap3A_114, %swap3A_115, %swap3A_116], %swap3A_119 {strides = array<i32>} : memref<16x512x256xf32, #tpu.memory_space<vmem>>, vector<1x512x256xf32>,
    %slice3A_120 = vector.extract_strided_slice %get3A_10 {offsets = [2, 0], sizes = [512, 256], strides = [1, 1]} : vector<528x256xf32> to vector<512x256xf32>
    %add3A_121 = arith.addf %get3A_4, %slice3A_120 : vector<512x256xf32>
    %swap3A_122 = arith.constant 14 : index
    %swap3A_123 = arith.constant 0 : index
    %swap3A_124 = arith.constant 0 : index
    %swap3A_125 = vector.load %arg3[%swap3A_122, %swap3A_123, %swap3A_124] : memref<16x512x256xf32, #tpu.memory_space<vmem>>, vector<1x512x256xf32>
    %swap3A_126 = vector.shape_cast %swap3A_125 : vector<1x512x256xf32> to vector<512x256xf32>
    %swap3A_127 = vector.shape_cast %add3A_121 : vector<512x256xf32> to vector<1x512x256xf32>
    tpu.vector_store %arg3[%swap3A_122, %swap3A_123, %swap3A_124], %swap3A_127 {strides = array<i32>} : memref<16x512x256xf32, #tpu.memory_space<vmem>>, vector<1x512x256xf32>,
    %slice3A_128 = vector.extract_strided_slice %get3A_10 {offsets = [1, 0], sizes = [512, 256], strides = [1, 1]} : vector<528x256xf32> to vector<512x256xf32>
    %add3A_129 = arith.addf %get3A_4, %slice3A_128 : vector<512x256xf32>
    %swap3A_130 = arith.constant 15 : index
    %swap3A_131 = arith.constant 0 : index
    %swap3A_132 = arith.constant 0 : index
    %swap3A_133 = vector.load %arg3[%swap3A_130, %swap3A_131, %swap3A_132] : memref<16x512x256xf32, #tpu.memory_space<vmem>>, vector<1x512x256xf32>
    %swap3A_134 = vector.shape_cast %swap3A_133 : vector<1x512x256xf32> to vector<512x256xf32>
    %swap3A_135 = vector.shape_cast %add3A_129 : vector<512x256xf32> to vector<1x512x256xf32>
    tpu.vector_store %arg3[%swap3A_130, %swap3A_131, %swap3A_132], %swap3A_135 {strides = array<i32>} : memref<16x512x256xf32, #tpu.memory_space<vmem>>, vector<1x512x256xf32>,
    return
  }
  func.func @transform_0(%arg0: i32) -> (i32, i32, i32) {
    %c0_i32 = arith.constant 0 : i32
    %c0_i32_0 = arith.constant 0 : i32
    %c0_i32_1 = arith.constant 0 : i32
    %c0_i32_2 = arith.constant 0 : i32
    return %c0_i32, %c0_i32_0, %c0_i32_1 : i32, i32, i32
  }
  func.func @transform_1(%arg0: i32) -> (i32, i32) {
    %c0_i32 = arith.constant 0 : i32
    %c0_i32_0 = arith.constant 0 : i32
    %c0_i32_1 = arith.constant 0 : i32
    return %c0_i32, %c0_i32_0 : i32, i32
  }
  func.func @transform_2(%arg0: i32) -> (i32, i32, i32) {
    %c0_i32 = arith.constant 0 : i32
    %c0_i32_0 = arith.constant 0 : i32
    %c0_i32_1 = arith.constant 0 : i32
    return %arg0, %c0_i32, %c0_i32_0 : i32, i32, i32
  }
}

</mosaic_0001>

<sc_bundles>
// kernel: kernel.4.cloned.1.call-start
scs
__scs_entry_jumppad:
0x0: {  	(pc) =	sbr.rel $0x88, $3  }
0x1: {  	(tag) =	ssettag $0x0;
	lr =	simm.s32 $0x1  }
0x2: {  	[smem:$0x3F9F] =	sst lr;
	_ =	strace $0xD0000000  }
0x3: {  	_ = 	snop  }
0x4: {  	_ = 	snop  }
0x5: {  	_ = 	snop  }
0x6: {  	_ = 	snop  }
0x7: {  	_ = 	snop  }
__scs_overlays_trampoline_lowered:
0x8: {  	[smem:$0x3FAE] =	sst s0  }
0x9: {  	[smem:$0x3FAF] =	sst s1  }
0xa: {  	[smem:$0x3FB0] =	sst s2  }
0xb: {  	[smem:$0x3FB1] =	sst s3  }
0xc: {  	[smem:$0x3FB2] =	sst s4  }
0xd: {  	[smem:$0x3FB3] =	sst s5  }
0xe: {  	[smem:$0x3FB4] =	sst s6  }
0xf: {  	[smem:$0x3FB5] =	sst s7  }
0x10: {  	[smem:$0x3FB6] =	sst s8  }
0x11: {  	[smem:$0x3FB7] =	sst s9;
	s0 =	simm.s32 @!p0 $0x0  }
0x12: {  	s1 =	sld [smem:$0x3F9D];
	s0 =	simm.s32 @p0 $0x1  }
0x13: {  	[smem:$0x3FB8] =	sst s0;
	s0 =	simm.s32 @!p1 $0x0  }
0x14: {  	s2 =	sld [smem:$0x3F9C];
	s0 =	simm.s32 @p1 $0x1  }
0x15: {  	[smem:$0x3FB9] =	sst s0;
	s0 =	simm.s32 @!p2 $0x0  }
0x16: {  	s3 =	sld [smem:$0x3FDB];
	s0 =	simm.s32 @p2 $0x1  }
0x17: {  	s4 =	simm.s32 $0x1BF5;
	[smem:$0x3FBB] =	sst s0  }
0x18: {  	s0 =	sld [smem:$0x3F9E];
	_ =	swait.ge [sflag:s4], $0x0  }
0x19: {  	s7 =	sld [smem:$0x3F9F]  }
0x1a: {  	s8 =	sadd.s32 $0xFFFFE003, lr  }
0x1b: {  	s9 =	sadd.s32 $0xFFFFFEF7, lr;
	s5 =	simm.s32 $0xFFFFFFFF;
	p2 =	slt.u32 s8, $0xFFFFF086  }
0x1c: {  	p1 =	slt.u32 s9, $0xF7A;
	s5 =	simm.s32 @!p2 $0x0  }
0x1d: {  	s5 =	simm.s32 @p1 $0x1;
	p0 =	seq.s32 s7, s2  }
0x1e: {  	s7 =	smul.u32 @!p0 $0xF7A, s2;
	p2 =	seq.s32 @!p0 s5, $0x0  }
0x1f: {  	s9 =	smul.u32 $0xF7A, s1;
	s8 =	simm.s32 @!p0 $0x1BF5;
	p2 =	por !p2, p0  }
0x20: {  	[sflag:s8] =	ssyncset.s32 @!p0 $0xFFFFF086;
	s6 =	sadd.s32 @!p0 s3, s7;
	s7 =	simm.s32 @!p0 $0x108  }
0x21: {  	s3 =	sadd.s32 s3, s9;
	s6 =	sadd.s32 @!p0 $0x88, s6;
	s7 =	simm.s32 @p2 $0x1082  }
0x22: {  	[simem:s7], [sflag:s8] =	dma.local @!p0 [hbm:s6], $0xF7A  }
0x23: {  	s9 =	sor.u32 $0xD0000000, s2;
	s6 =	simm.s32 $0x108;
	_ =	swait.ge @!p0 [sflag:s8], $0x0  }
0x24: {  	s3 =	sadd.s32 $0x88, s3;
	s6 =	simm.s32 @!p1 $0x1082;
	[sflag:s4] =	ssyncset.s32 $0xFFFFF086  }
0x25: {  	[simem:s6], [sflag:s4] =	dma.local [hbm:s3], $0xF7A  }
0x26: {  	[smem:$0x3F9F] =	sst s1;
	(tag) =	ssettag s2;
	_ =	strace s9  }
0x27: {  	s1 =	sld [smem:$0x3FAF]  }
0x28: {  	s2 =	sld [smem:$0x3FB0]  }
0x29: {  	s4 =	sld [smem:$0x3FB2]  }
0x2a: {  	p0 =	seq.s32 s5, $0x0;
	s5 =	sld [smem:$0x3FB3]  }
0x2b: {  	s6 =	sld [smem:$0x3FB4]  }
0x2c: {  	s7 =	sld [smem:$0x3FB5]  }
0x2d: {  	s3 =	simm.s32 $0x108;
	s8 =	sld [smem:$0x3FB6]  }
0x2e: {  	s3 =	simm.s32 @!p0 $0x1082;
	s9 =	sld [smem:$0x3FB7]  }
0x2f: {  	lr =	sadd.s32 s0, s3;
	s0 =	sld [smem:$0x3FAE]  }
0x30: {  	s3 =	sld [smem:$0x3FB1]  }
0x31: {  	[smem:$0x3FBA] =	sst s10  }
0x32: {  	s10 =	sld [smem:$0x3FB8];
	_ =	sdelay $0x3  }
0x33: {  	p0 =	seq.s32 s10, $0x1;
	s10 =	sld [smem:$0x3FBA];
	_ =	sdelay $0x3  }
0x34: {  	[smem:$0x3FBA] =	sst s10  }
0x35: {  	s10 =	sld [smem:$0x3FB9];
	_ =	sdelay $0x3  }
0x36: {  	p1 =	seq.s32 s10, $0x1;
	s10 =	sld [smem:$0x3FBA];
	_ =	sdelay $0x3  }
0x37: {  	[smem:$0x3FBA] =	sst s10  }
0x38: {  	s10 =	sld [smem:$0x3FBB]  }
0x39: {  	_ = 	snop;
	(pc) =	sbr.ind lr, $3  }
0x3a: {  	_ = 	snop  }
0x3b: {  	_ = 	snop  }
0x3c: {  	p2 =	seq.s32 s10, $0x1;
	s10 =	sld [smem:$0x3FBA]  }
0x3d: {  	_ =	shalt  }
0x3e: {  	_ =	shalt  }
0x3f: {  	_ =	shalt  }
0x40: {  	_ =	shalt  }
0x41: {  	_ =	shalt  }
0x42: {  	_ =	shalt  }
0x43: {  	_ =	shalt  }
0x44: {  	_ =	shalt  }
0x45: {  	_ =	shalt  }
0x46: {  	_ =	shalt  }
0x47: {  	_ =	shalt  }
0x48: {  	_ =	shalt  }
0x49: {  	_ =	shalt  }
0x4a: {  	_ =	shalt  }
0x4b: {  	_ =	shalt  }
0x4c: {  	_ =	shalt  }
0x4d: {  	_ =	shalt  }
0x4e: {  	_ =	shalt  }
0x4f: {  	_ =	shalt  }
0x50: {  	_ =	shalt  }
0x51: {  	_ =	shalt  }
0x52: {  	_ =	shalt  }
0x53: {  	_ =	shalt  }
0x54: {  	_ =	shalt  }
0x55: {  	_ =	shalt  }
0x56: {  	_ =	shalt  }
0x57: {  	_ =	shalt  }
0x58: {  	_ =	shalt  }
0x59: {  	_ =	shalt  }
0x5a: {  	_ =	shalt  }
0x5b: {  	_ =	shalt  }
0x5c: {  	_ =	shalt  }
0x5d: {  	_ =	shalt  }
0x5e: {  	_ =	shalt  }
0x5f: {  	_ =	shalt  }
0x60: {  	_ =	shalt  }
0x61: {  	_ =	shalt  }
0x62: {  	_ =	shalt  }
0x63: {  	_ =	shalt  }
0x64: {  	_ =	shalt  }
0x65: {  	_ =	shalt  }
0x66: {  	_ =	shalt  }
0x67: {  	_ =	shalt  }
0x68: {  	_ =	shalt  }
0x69: {  	_ =	shalt  }
0x6a: {  	_ =	shalt  }
0x6b: {  	_ =	shalt  }
0x6c: {  	_ =	shalt  }
0x6d: {  	_ =	shalt  }
0x6e: {  	_ =	shalt  }
0x6f: {  	_ =	shalt  }
0x70: {  	_ =	shalt  }
0x71: {  	_ =	shalt  }
0x72: {  	_ =	shalt  }
0x73: {  	_ =	shalt  }
0x74: {  	_ =	shalt  }
0x75: {  	_ =	shalt  }
0x76: {  	_ =	shalt  }
0x77: {  	_ =	shalt  }
0x78: {  	_ =	shalt  }
0x79: {  	_ =	shalt  }
0x7a: {  	_ =	shalt  }
0x7b: {  	_ =	shalt  }
0x7c: {  	_ =	shalt  }
0x7d: {  	_ =	shalt  }
0x7e: {  	_ =	shalt  }
0x7f: {  	_ =	shalt  }
0x80: {  	_ =	shalt  }
0x81: {  	_ =	shalt  }
0x82: {  	_ =	shalt  }
0x83: {  	_ =	shalt  }
0x84: {  	_ =	shalt  }
0x85: {  	_ =	shalt  }
0x86: {  	_ =	shalt  }
0x87: {  	_ =	shalt  }
.Lfunc_end0:
.L_simem_size_0:
called_computation_lowered:
.L_overlay_start_0:
0x88: {  	s2 =	sld [smem:$0x3FD9]  }
0x89: {  	s3 =	sld [smem:$0x3FFE];
	_ =	sdelay $0x1  }
0x8a: {  	s1 =	srdreg.scid  }
0x8b: {  	s0 =	sand.u32 $0x1, s1  }
0x8c: {  	s17 =	sshll.u32 s0, $0xA;
	s2 =	sadd.s32 s3, s2  }
0x8d: {  	s2 =	sadd.s32 s2, s17  }
0x8e: {  	[smem:$0x3FC6] =	sst s2  }
0x8f: {  	_ = 	snop  }
0x90: {  	s2 =	sld [smem:$0x3FD0];
	(tm) =	ssettm $0x1  }
0x91: {  	s18 =	sld [smem:$0x3FFB];
	_ =	sdelay $0x3  }
0x92: {  	_ =	strace s18  }
0x93: {  	s3 =	sld [smem:$0x3FFC];
	_ =	sdelay $0x3  }
0x94: {  	_ =	strace s3  }
0x95: {  	s3 =	sld [smem:$0x3FFD];
	_ =	sdelay $0x3  }
0x96: {  	_ =	strace s3  }
0x97: {  	_ =	strace $0x8FFFFFFF  }
0x98: {  	s19 =	sld [smem:$0x3FDB];
	_ =	sdelay $0x1  }
0x99: {  	s4 =	simm.s32 $_scs_section_size  }
0x9a: {  	s5 =	simm.s32 $_size__tile_overlayer_lowered;
	s6 =	simm.s32 $_tile_overlayer_lowered  }
0x9b: {  	s22 =	simm.s32 $0x1BFF;
	s21 =	sshll.u32 s6, $0x1;
	s3 =	sadd.s32 s4, s19  }
0x9c: {  	s7 =	simm.s32 $0x0;
	s20 =	sshll.u32 s5, $0x1;
	s5 =	sadd.s32 s21, s3  }
0x9d: {  	[timem:s7], [sflag:s22] =	dma.local [hbm:s5], s20  }
0x9e: {  	_ =	swait.ge [sflag:s22], s20  }
0x9f: {  	s4 =	ssub.s32 $0x0, s20;
	[sflag:s22] =	ssyncset.done $0x0  }
0xa0: {  	[sflag:s22] =	ssyncadd.s32 s4;
	_ =	sdelay $0x1  }
0xa1: {  	s23 =	simm.s32 $0x1B8B  }
0xa2: {  	_ =	swait.ge [sflag:s23], $0x1  }
0xa3: {  	[sflag:s23] =	ssyncset.done $0x0  }
0xa4: {  	s25 =	simm.s32 $0x1B8E;
	s24 =	sld [smem:$0x3FFE];
	[sflag:s23] =	ssyncadd.s32 $0xFFFFFFFF  }
0xa5: {  	s26 =	simm.s32 $execute0_lowered;
	[smem:$0x3FD2] =	sst s25  }
0xa6: {  	s5 =	sshll.u32 s26, $0x1;
	_ =	strace $0x80000046;
	[dreg:$0x1] =	wrdreg $0xFFFFFFFF  }
0xa7: {  	s28 =	simm.s32 $_size_execute0_lowered;
	s3 =	sadd.s32 s3, s5;
	[dreg:$0x0] =	wrdreg $0x0  }
0xa8: {  	s5 =	sshll.u32 s28, $0x1;
	[dreg:$0x2] =	wrdreg s3  }
0xa9: {  	[dreg:$0x3] =	wrdreg s5  }
0xaa: {  	[dreg:$0x4] =	wrdreg $0xC0  }
0xab: {  	_ =	task [dreg:s7], $0x5FFFF  }
0xac: {  	[dreg:$0x1] =	wrdreg $0xFFFFFFFF  }
0xad: {  	[dreg:$0x0] =	wrdreg $0x60  }
0xae: {  	[dreg:$0x2] =	wrdreg s24  }
0xaf: {  	[dreg:$0x3] =	wrdreg s2  }
0xb0: {  	[dreg:$0x4] =	wrdreg $0x9  }
0xb1: {  	_ =	task.clear_ibuf [dreg:s7], $0x5FFFF;
	_ =	strace $0x90000046  }
0xb2: {  	s29 =	simm.s32 $0x9;
	_ =	strace $0x80000048  }
0xb3: {  	_ =	swait.ge [sflag:s29], $0x1  }
0xb4: {  	[sflag:s29] =	ssyncadd.s32 $0xFFFFFFFF  }
0xb5: {  	_ =	strace $0x90000048  }
0xb6: {  	_ =	sfence  }
0xb7: {  	s30 =	sld [smem:$0x0];
	_ =	sdelay $0x2  }
0xb8: {  	s31 =	sshll.u32 s1, $0xD;
	s1 =	sshrl.u32 s1, $0x2  }
0xb9: {  	s3 =	sand.u32 $0x4000, s31;
	s1 =	sadd.s32 s1, s30  }
0xba: {  	s0 =	sor.u32 s3, s0;
	s1 =	sshll.u32 s1, $0x11  }
0xbb: {  	s0 =	sor.u32 s1, s0  }
0xbc: {  	s0 =	sadd.s32 $0x8F2B, s0  }
0xbd: {  	[sflag:s0] =	ssyncadd.remote.s32 $0x1  }
0xbe: {  	_ =	sfence.sel $0xFFFF  }
0xbf: {  	[dreg:$0x0] =	wrdreg $0xFFFFFFFF;
	(pc) =	sbr.abs _section_cstart, $3  }
0xc0: {  	[dreg:$0x1] =	wrdreg $0xFFFFFFFF  }
0xc1: {  	_ =	task.clear_ibuf [dreg:s7], $0x2FFFF;
	_ =	strace $0x9FFFFFFF  }
0xc2: {  	(tm) =	ssettm $0x7FFFFFFF  }
0xc3: {  	_ =	shalt  }
tec
execute0_lowered:
.L_overlay_start_1:
0x0: {  	(tag) =	ssettag $0x1  }
0x1: {  	s5 =	rddreg [dreg:$0x0]  }
0x2: {  	s1 =	rddreg [dreg:$0x1]  }
0x3: {  	s0 =	rddreg [dreg:$0x2]  }
0x4: {  	s3 =	simm.s32 $0x0;
	s4 =	srdreg.scid;
	s2 =	stileid.u32  }
0x5: {  	s10 =	simm.s32 $0x3;
	s11 =	simm.s32 $0x4000;
	s12 =	simm.s32 $0x8100  }
0x6: {  	s13 =	simm.s32 $0xC100;
	s14 =	simm.s32 $0x1;
	s15 =	simm.s32 $0x2  }
0x7: {  	s16 =	simm.s32 $0x0;
	[smem:$0x7FF] =	sst s3;
	s6 =	sand.u32 $0x1, s4  }
0x8: {  	s4 =	sadd.s32 $0x800, s5;
	s8 =	sshll.u32 s2, $0x1;
	s7 =	ssub.s32 $0x2, s6  }
0x9: {  	s5 =	sadd.s32 $0x4800, s5;
	s8 =	sor.u32 s6, s8;
	s9 =	sshrl.u32 s7, $0x1  }
0xa: {  	_ =	strace $0x80000047;
	s6 =	sshll.u32 s8, $0x12;
	s9 =	ssub.s32 s7, s9  }
0xb: {  	s7 =	sshll.u32 s8, $0x9;
	s8 =	sadd.s32 $0x4000, s1;
	s9 =	smax.u32 s9, $0x1  }
.LBB2_1:
0xc: {  	s17 =	simm.s32 $0x0  }
.LBB2_2:
0xd: {  	s19 =	sshll.u32 s17, $0xB;
	s18 =	sshll.u32 s17, $0xE  }
0xe: {  	s19 =	sadd.s32 s4, s19;
	s31 =	ssub.s32 s18, s7  }
0xf: {  	[tilespmem:s3], [sflag:$0x3] =	stream.linear.gather [hbm4b:s19+s3], $0x4000, $0x38;
	[tilespmem:$0x10100] =	vst v63  }
0x10: {  	s19 =	sadd.s32 $0x3F00, s31;
	_ =	swait.ge [sflag:s10], $0x4000  }
0x11: {  	s19 =	sshrl.u32 s19, $0x3;
	[sflag:s10] =	ssyncset.done $0x0  }
0x12: {  	s19 =	sadd.s32 s5, s19;
	[sflag:s10] =	ssyncadd.s32 $0xFFFFC000  }
0x13: {  	[tilespmem:s11], [sflag:$0x3] =	stream.linear.gather [hbm4b:s19+s3], $0x4100, $0x38;
	[tilespmem:$0x10100] =	vst v63  }
0x14: {  	_ =	swait.ge [sflag:s10], $0x4100  }
0x15: {  	[sflag:s10] =	ssyncset.done $0x0  }
0x16: {  	s22 =	simm.s32 $0x4170;
	[sflag:s10] =	ssyncadd.s32 $0xFFFFBF00  }
0x17: {  	s19 =	simm.s32 $0x40;
	v1 =	vld [tilespmem:s22+$0x0]  }
0x18: {  	v2 =	vld [tilespmem:s19+$0x30]  }
0x19: {  	v0 =	vld [tilespmem:s19+$0xFFFFFFC0]  }
0x1a: {  	v3 =	vld [tilespmem:s22+$0xFFFFFFA0]  }
0x1b: {  	v4 =	vld [tilespmem:s19+$0xFFFFFFD0]  }
0x1c: {  	v5 =	vld [tilespmem:s22+$0xFFFFFFB0]  }
0x1d: {  	v6 =	vld [tilespmem:s19+$0xFFFFFFE0]  }
0x1e: {  	v7 =	vld [tilespmem:s22+$0xFFFFFFC0]  }
0x1f: {  	v8 =	vld [tilespmem:s19+$0xFFFFFFF0]  }
0x20: {  	v9 =	vld [tilespmem:s22+$0xFFFFFFD0]  }
0x21: {  	v10 =	vld [tilespmem:s19+$0x0];
	v2 =	vadd.f32 v2, v1  }
0x22: {  	s20 =	simm.s32 $0x8140;
	v4 =	vadd.f32 v4, v3;
	v1 =	vld [tilespmem:s22+$0xFFFFFFE0]  }
0x23: {  	v5 =	vadd.f32 v6, v5;
	v3 =	vld [tilespmem:s19+$0x10];
	[tilespmem:s20+$0x30] =	vst v2  }
0x24: {  	v6 =	vadd.f32 v8, v7;
	[tilespmem:s20+$0xFFFFFFD0] =	vst v4;
	v2 =	vld [tilespmem:s22+$0xFFFFFFF0]  }
0x25: {  	[tilespmem:s20+$0xFFFFFFE0] =	vst v5;
	v5 =	vld [tilespmem:s19+$0x20]  }
0x26: {  	s21 =	simm.s32 $0x0;
	v4 =	vld [tilespmem:s22+$0xFFFFFF90];
	[tilespmem:s20+$0xFFFFFFF0] =	vst v6;
	v6 =	vadd.f32 v10, v9;
	s22 =	simm.s32 $0x41F0  }
.LBB2_3:
0x27: {  	v7 =	vld [tilespmem:s22+$0x0];
	s19 =	sadd.s32 $0x80, s19  }
0x28: {  	s21 =	sadd.s32 $0x80, s21;
	v8 =	vld [tilespmem:s19+$0x30];
	[tilespmem:s20+$0x0] =	vst v6;
	v1 =	vadd.f32 v3, v1  }
0x29: {  	p0 =	slt.u32 s21, $0x3F80;
	v3 =	vld [tilespmem:s19+$0xFFFFFFC0]  }
0x2a: {  	v6 =	vld [tilespmem:s22+$0xFFFFFFA0];
	[tilespmem:s20+$0x10] =	vst v1;
	v1 =	vadd.f32 v5, v2  }
0x2b: {  	v2 =	vld [tilespmem:s19+$0xFFFFFFD0];
	v9 =	vadd.f32 v0, v4  }
0x2c: {  	v4 =	vld [tilespmem:s22+$0xFFFFFFB0];
	[tilespmem:s20+$0x20] =	vst v1  }
0x2d: {  	v1 =	vld [tilespmem:s19+$0xFFFFFFE0];
	v5 =	vadd.f32 v8, v7;
	[tilespmem:s20+$0xFFFFFFC0] =	vst v9  }
0x2e: {  	s20 =	sadd.s32 $0x80, s20;
	v7 =	vld [tilespmem:s22+$0xFFFFFFC0];
	v0 =	vmov v3  }
0x2f: {  	v8 =	vld [tilespmem:s19+$0xFFFFFFF0];
	[tilespmem:s20+$0x30] =	vst v5  }
0x30: {  	v2 =	vadd.f32 v2, v6;
	v6 =	vld [tilespmem:s22+$0xFFFFFFD0]  }
0x31: {  	v9 =	vld [tilespmem:s19+$0x0]  }
.Ltmp0:
0x32: {  	[tilespmem:s20+$0xFFFFFFD0] =	vst v2;
	v2 =	vadd.f32 v1, v4;
	v1 =	vld [tilespmem:s22+$0xFFFFFFE0];
	(pc) =	sbr.rel @p0 .LBB2_3-.Ltmp0, $4  }
0x33: {  	v3 =	vld [tilespmem:s19+$0x10]  }
0x34: {  	[tilespmem:s20+$0xFFFFFFE0] =	vst v2;
	v7 =	vadd.f32 v8, v7;
	v2 =	vld [tilespmem:s22+$0xFFFFFFF0]  }
0x35: {  	v5 =	vld [tilespmem:s19+$0x20]  }
0x36: {  	v4 =	vld [tilespmem:s22+$0xFFFFFF90];
	[tilespmem:s20+$0xFFFFFFF0] =	vst v7;
	v6 =	vadd.f32 v9, v6;
	s22 =	sadd.s32 $0x80, s22  }
0x37: {  	_ =	sdelay $0x1  }
0x38: {  	v1 =	vadd.f32 v3, v1  }
0x39: {  	[tilespmem:s20+$0x0] =	vst v6;
	v2 =	vadd.f32 v5, v2  }
0x3a: {  	s18 =	sadd.s32 s6, s18;
	[tilespmem:s20+$0x10] =	vst v1;
	v0 =	vadd.f32 v0, v4  }
0x3b: {  	s18 =	sshrl.u32 s18, $0x3;
	[tilespmem:s20+$0x20] =	vst v2  }
0x3c: {  	s22 =	simm.s32 $0x4040;
	s19 =	sadd.s32 s1, s18;
	[tilespmem:s20+$0xFFFFFFC0] =	vst v0  }
0x3d: {  	[hbm4b:s19+s3] =	stream.linear.scatter [tilespmem:s12], [sflag:$0x1], $0x4000, $0x38;
	[tilespmem:$0x10100] =	vst v63  }
0x3e: {  	s19 =	simm.s32 $0x40;
	v1 =	vld [tilespmem:s22+$0x30]  }
0x3f: {  	v2 =	vld [tilespmem:s19+$0x30]  }
0x40: {  	v0 =	vld [tilespmem:s19+$0xFFFFFFC0]  }
0x41: {  	v3 =	vld [tilespmem:s22+$0xFFFFFFD0]  }
0x42: {  	v4 =	vld [tilespmem:s19+$0xFFFFFFD0]  }
0x43: {  	v5 =	vld [tilespmem:s22+$0xFFFFFFE0]  }
0x44: {  	v6 =	vld [tilespmem:s19+$0xFFFFFFE0]  }
0x45: {  	v7 =	vld [tilespmem:s22+$0xFFFFFFF0]  }
0x46: {  	v8 =	vld [tilespmem:s19+$0xFFFFFFF0]  }
0x47: {  	v9 =	vld [tilespmem:s22+$0x0]  }
0x48: {  	v10 =	vld [tilespmem:s19+$0x0];
	v2 =	vadd.f32 v2, v1  }
0x49: {  	s20 =	simm.s32 $0xC140;
	v4 =	vadd.f32 v4, v3;
	v1 =	vld [tilespmem:s22+$0x10]  }
0x4a: {  	v5 =	vadd.f32 v6, v5;
	v3 =	vld [tilespmem:s19+$0x10];
	[tilespmem:s20+$0x30] =	vst v2  }
0x4b: {  	v6 =	vadd.f32 v8, v7;
	[tilespmem:s20+$0xFFFFFFD0] =	vst v4;
	v2 =	vld [tilespmem:s22+$0x20]  }
0x4c: {  	[tilespmem:s20+$0xFFFFFFE0] =	vst v5;
	v5 =	vld [tilespmem:s19+$0x20]  }
0x4d: {  	s21 =	simm.s32 $0x0;
	v4 =	vld [tilespmem:s22+$0xFFFFFFC0];
	[tilespmem:s20+$0xFFFFFFF0] =	vst v6;
	v6 =	vadd.f32 v10, v9;
	s22 =	simm.s32 $0x40C0  }
.LBB2_5:
0x4e: {  	v7 =	vld [tilespmem:s22+$0x30];
	s19 =	sadd.s32 $0x80, s19  }
0x4f: {  	s21 =	sadd.s32 $0x80, s21;
	v8 =	vld [tilespmem:s19+$0x30];
	[tilespmem:s20+$0x0] =	vst v6;
	v1 =	vadd.f32 v3, v1  }
0x50: {  	p0 =	slt.u32 s21, $0x3F80;
	v3 =	vld [tilespmem:s19+$0xFFFFFFC0]  }
0x51: {  	v6 =	vld [tilespmem:s22+$0xFFFFFFD0];
	[tilespmem:s20+$0x10] =	vst v1;
	v1 =	vadd.f32 v5, v2  }
0x52: {  	v2 =	vld [tilespmem:s19+$0xFFFFFFD0];
	v9 =	vadd.f32 v0, v4  }
0x53: {  	v4 =	vld [tilespmem:s22+$0xFFFFFFE0];
	[tilespmem:s20+$0x20] =	vst v1  }
0x54: {  	v1 =	vld [tilespmem:s19+$0xFFFFFFE0];
	v5 =	vadd.f32 v8, v7;
	[tilespmem:s20+$0xFFFFFFC0] =	vst v9  }
0x55: {  	s20 =	sadd.s32 $0x80, s20;
	v7 =	vld [tilespmem:s22+$0xFFFFFFF0];
	v0 =	vmov v3  }
0x56: {  	v8 =	vld [tilespmem:s19+$0xFFFFFFF0];
	[tilespmem:s20+$0x30] =	vst v5  }
0x57: {  	v2 =	vadd.f32 v2, v6;
	v6 =	vld [tilespmem:s22+$0x0]  }
0x58: {  	v9 =	vld [tilespmem:s19+$0x0]  }
.Ltmp1:
0x59: {  	[tilespmem:s20+$0xFFFFFFD0] =	vst v2;
	v2 =	vadd.f32 v1, v4;
	v1 =	vld [tilespmem:s22+$0x10];
	(pc) =	sbr.rel @p0 .LBB2_5-.Ltmp1, $4  }
0x5a: {  	v3 =	vld [tilespmem:s19+$0x10]  }
0x5b: {  	[tilespmem:s20+$0xFFFFFFE0] =	vst v2;
	v7 =	vadd.f32 v8, v7;
	v2 =	vld [tilespmem:s22+$0x20]  }
0x5c: {  	v5 =	vld [tilespmem:s19+$0x20]  }
0x5d: {  	v4 =	vld [tilespmem:s22+$0xFFFFFFC0];
	[tilespmem:s20+$0xFFFFFFF0] =	vst v7;
	v6 =	vadd.f32 v9, v6;
	s22 =	sadd.s32 $0x80, s22  }
0x5e: {  	_ =	sdelay $0x1  }
0x5f: {  	v1 =	vadd.f32 v3, v1  }
0x60: {  	[tilespmem:s20+$0x0] =	vst v6;
	v2 =	vadd.f32 v5, v2  }
0x61: {  	[tilespmem:s20+$0x10] =	vst v1;
	v0 =	vadd.f32 v0, v4  }
0x62: {  	[tilespmem:s20+$0x20] =	vst v2  }
0x63: {  	s18 =	sadd.s32 s18, s8;
	s17 =	sadd.s32 $0x1, s17;
	[tilespmem:s20+$0xFFFFFFC0] =	vst v0  }
0x64: {  	[hbm4b:s18+s3] =	stream.linear.scatter [tilespmem:s13], [sflag:$0x2], $0x4000, $0x38;
	[tilespmem:$0x10100] =	vst v63  }
0x65: {  	p0 =	sne.s32 s17, $0x8;
	_ =	swait.ge [sflag:s14], $0x4000  }
.Ltmp2:
0x66: {  	[sflag:s14] =	ssyncset.done $0x0;
	(pc) =	sbr.rel @p0 .LBB2_2-.Ltmp2, $4  }
0x67: {  	[sflag:s14] =	ssyncadd.s32 $0xFFFFC000  }
0x68: {  	_ =	swait.ge [sflag:s15], $0x4000  }
0x69: {  	[sflag:s15] =	ssyncset.done $0x0  }
0x6a: {  	[sflag:s15] =	ssyncadd.s32 $0xFFFFC000  }
0x6b: {  	s16 =	sadd.s32 $0x1, s16  }
0x6c: {  	p0 =	sne.s32 s16, s9  }
.Ltmp3:
0x6d: {  	_ = 	snop;
	(pc) =	sbr.rel @p0 .LBB2_1-.Ltmp3, $1  }
0x6e: {  	_ =	sdelay $0x3  }
0x6f: {  	_ =	sfence.sel $0x180000  }
0x70: {  	[bflag:$0x0] =	sbarrier.arrive $0xFFFF  }
0x71: {  	p0 =	sne.s32 s2, $0x0;
	_ =	strace $0x90000047  }
0x72: {  	s0 =	sadd.s32 @!p0 $0x100000, s0;
	[bflag:$0x2] =	sbarrier.arrive $0xFFFF  }
0x73: {  	[sflag:s0] =	ssyncadd.tile.s32 @!p0 $0x1;
	_ =	shalt  }
.Lfunc_end2:
_tile_overlayer_lowered:
.L_overlay_start_2:
0x74: {  	(tag) =	ssettag $0x2  }
0x75: {  	s0 =	rddreg [dreg:$0x0];
	s2 =	stileid.u32  }
0x76: {  	s1 =	rddreg [dreg:$0x1];
	p0 =	sne.s32 s2, $0x0  }
0x77: {  	s3 =	rddreg [dreg:$0x2];
	[bflag:$0x3] =	sbarrier.arrive $0xFFFF;
	s2 =	simm.s32 @!p0 $0x1C03  }
0x78: {  	[timem:s3], [sflag:s2] =	dma.local @!p0 [hbm:s0], s1  }
0x79: {  	s0 =	simm.s32 @!p0 $0x3  }
0x7a: {  	_ =	swait.ge @!p0 [sflag:s0], s1  }
0x7b: {  	s1 =	ssub.s32 @!p0 $0x0, s1;
	[sflag:s0] =	ssyncset.done @!p0 $0x0  }
0x7c: {  	[sflag:s0] =	ssyncadd.s32 @!p0 s1  }
0x7d: {  	[bflag:$0x3] =	sbarrier.arrive $0xFFFF  }
0x7e: {  	_ =	shalt  }

</sc_bundles>
